<compile_context>
chip_gen: v7x
topology: tpu7x:2x2x1
jax: 0.10.2.dev20260603
libtpu: 0.0.44.dev20260713+nightly
codegen_flags: <defaults>
</compile_context>

<pallas_src>
import functools

import jax
import jax.numpy as jnp
from jax import lax
from jax.experimental import pallas as pl
from jax.experimental.pallas import tpu as pltpu
from jax.experimental.pallas import tpu_sc as plsc

_K = 25
_MIN_CONF = 0.25
_BQ = 1024


def _prep_body(e_ref, c_ref, en_ref, eh_ref, el_ref, h_ref, mxhi_ref,
               mxlo_ref, np_ref):
    E = e_ref[...]
    en_ref[...] = jnp.sum(E * E, axis=1)[None, :]
    eh = E.astype(jnp.bfloat16)
    eh_ref[...] = eh
    el_ref[...] = (E - eh.astype(jnp.float32)).astype(jnp.bfloat16)

    C = c_ref[...]
    mx = jnp.max(C, axis=1, keepdims=True)
    col = lax.broadcasted_iota(jnp.int32, C.shape, 1)
    am = jnp.min(jnp.where(C == mx, col, C.shape[1]), axis=1, keepdims=True)
    H = (col == am).astype(jnp.bfloat16)
    h_ref[...] = H
    mxhi = mx.astype(jnp.bfloat16)
    mxhi_ref[...] = mxhi
    mxlo_ref[...] = (mx - mxhi.astype(jnp.float32)).astype(jnp.bfloat16)

    sel = (mx >= _MIN_CONF).astype(jnp.bfloat16)
    pop = lax.dot_general(sel, H, (((0,), (0,)), ((), ())),
                          preferred_element_type=jnp.float32)
    np_ref[0, 0] = jnp.sum((pop > 0.0).astype(jnp.float32))


def _tc_prep(encodings, categorical):
    B, D = encodings.shape
    nclust = categorical.shape[1]
    return pl.pallas_call(
        _prep_body,
        out_specs=[
            pl.BlockSpec((1, B), lambda: (0, 0)),
            pl.BlockSpec((B, D), lambda: (0, 0)),
            pl.BlockSpec((B, D), lambda: (0, 0)),
            pl.BlockSpec((B, nclust), lambda: (0, 0)),
            pl.BlockSpec((B, 1), lambda: (0, 0)),
            pl.BlockSpec((B, 1), lambda: (0, 0)),
            pl.BlockSpec((1, 1), lambda: (0, 0), memory_space=pltpu.SMEM),
        ],
        out_shape=[
            jax.ShapeDtypeStruct((1, B), jnp.float32),
            jax.ShapeDtypeStruct((B, D), jnp.bfloat16),
            jax.ShapeDtypeStruct((B, D), jnp.bfloat16),
            jax.ShapeDtypeStruct((B, nclust), jnp.bfloat16),
            jax.ShapeDtypeStruct((B, 1), jnp.bfloat16),
            jax.ShapeDtypeStruct((B, 1), jnp.bfloat16),
            jax.ShapeDtypeStruct((1, 1), jnp.float32),
        ],
    )(encodings, categorical)


def _main_body(en_ref, eh_ref, el_ref, h_ref, mxhi_ref, mxlo_ref, q_ref,
               idx_ref, ne_ref):
    Q = q_ref[...]
    qh = Q.astype(jnp.bfloat16)
    ql = (Q - qh.astype(jnp.float32)).astype(jnp.bfloat16)
    dims = (((1,), (1,)), ((), ()))
    S = (lax.dot_general(qh, eh_ref[...], dims, preferred_element_type=jnp.float32)
         + lax.dot_general(qh, el_ref[...], dims, preferred_element_type=jnp.float32)
         + lax.dot_general(ql, eh_ref[...], dims, preferred_element_type=jnp.float32))
    qn = jnp.sum(Q * Q, axis=1)
    d2 = jnp.maximum(qn[:, None] + en_ref[...] - 2.0 * S, 0.0)

    dbits = lax.bitcast_convert_type(d2, jnp.int32)
    nkeys = eh_ref.shape[0]
    ones = jnp.ones((nkeys, 1), dtype=jnp.bfloat16)

    def bstep(i, p):
        cand = p + (jnp.int32(1) << (30 - i))
        cmpb = (dbits < cand).astype(jnp.bfloat16)
        c = lax.dot_general(cmpb, ones, (((1,), (0,)), ((), ())),
                            preferred_element_type=jnp.float32)
        return jnp.where(c >= float(_K + 1), p, cand)

    p = lax.fori_loop(0, 31, bstep, jnp.zeros((Q.shape[0], 1), jnp.int32))
    mask = (dbits < p).astype(jnp.bfloat16)

    counts = lax.dot_general(mask, h_ref[...], (((1,), (0,)), ((), ())),
                             preferred_element_type=jnp.float32)
    total = jnp.sum(counts, axis=1, keepdims=True)
    bins = counts / total
    ent = -jnp.sum(bins * jnp.log(bins + 1e-5), axis=1)

    idx = idx_ref[...]
    rowid = lax.broadcasted_iota(jnp.int32, (idx.shape[0], nkeys), 1)
    P = (idx[:, None] == rowid).astype(jnp.bfloat16)
    mg = (lax.dot_general(P, mxhi_ref[...], (((1,), (0,)), ((), ())),
                          preferred_element_type=jnp.float32)
          + lax.dot_general(P, mxlo_ref[...], (((1,), (0,)), ((), ())),
                            preferred_element_type=jnp.float32))
    ne_ref[...] = ent * mg[:, 0]


def _tc_main(en, eh, el, h, mxhi, mxlo, q, idx):
    B, D = eh.shape
    nclust = h.shape[1]
    nsamp = q.shape[0]
    grid = nsamp // _BQ
    return pl.pallas_call(
        _main_body,
        grid=(grid,),
        in_specs=[
            pl.BlockSpec((1, B), lambda i: (0, 0)),
            pl.BlockSpec((B, D), lambda i: (0, 0)),
            pl.BlockSpec((B, D), lambda i: (0, 0)),
            pl.BlockSpec((B, nclust), lambda i: (0, 0)),
            pl.BlockSpec((B, 1), lambda i: (0, 0)),
            pl.BlockSpec((B, 1), lambda i: (0, 0)),
            pl.BlockSpec((_BQ, D), lambda i: (i, 0)),
            pl.BlockSpec((_BQ,), lambda i: (i,)),
        ],
        out_specs=pl.BlockSpec((_BQ,), lambda i: (i,)),
        out_shape=jax.ShapeDtypeStruct((nsamp,), jnp.float32),
    )(en, eh, el, h, mxhi, mxlo, q, idx)


def _sc_gather(encodings, idx):
    B, D = encodings.shape
    nsamp = idx.shape[0]
    info = plsc.get_sparse_core_info()
    ncores = info.num_cores
    nw = ncores * info.num_subcores
    bpw = nsamp // nw
    mesh = plsc.VectorSubcoreMesh(core_axis_name="c", subcore_axis_name="s")

    @functools.partial(
        pl.kernel, mesh=mesh,
        out_type=jax.ShapeDtypeStruct((nsamp, D), jnp.float32),
        scratch_types=[
            pltpu.VMEM((bpw,), jnp.int32),
            pltpu.VMEM((bpw, D), jnp.float32),
            pltpu.SemaphoreType.DMA,
        ],
    )
    def k(enc, ih, qo, idx_v, rows_v, s1):
        wid = lax.axis_index("s") * ncores + lax.axis_index("c")
        base = wid * bpw
        pltpu.sync_copy(ih.at[pl.ds(base, bpw)], idx_v)
        pltpu.async_copy(enc.at[idx_v], rows_v, s1).wait()
        pltpu.sync_copy(rows_v, qo.at[pl.ds(base, bpw)])

    return k(encodings, idx)


def kernel(encodings, categorical, random_idxs):
    q = _sc_gather(encodings, random_idxs)
    en, eh, el, h, mxhi, mxlo, npop = _tc_prep(encodings, categorical)
    ne = _tc_main(en, eh, el, h, mxhi, mxlo, q, random_idxs)
    return encodings, ne, npop[0, 0]

# --- scband reference (transcript-rebuilt; emitter-appended) ---
"""Pipeline reference for scband-cluster-overlap-12214886990028 (READ-ONLY COPY).

The authoritative reference and input builder live on the scoring server;
editing this copy changes nothing except your own understanding.
"""

import jax, jax.numpy as jnp
import numpy as np

BATCH = 4096
ENC = 512
NCLUST = 32
K = 25
SAMPLES = 4096
MIN_CONF = 0.25


def setup_inputs(seed: int = 0) -> dict:
    key = jax.random.key(seed)
    k1, k2, k3 = jax.random.split(key, 3)
    encodings = jax.random.normal(k1, (BATCH, ENC), dtype=jnp.float32)
    categorical = jax.random.uniform(k2, (BATCH, NCLUST), dtype=jnp.float32)
    # the original layer draws `samples` random row indices inside call();
    # we materialize them deterministically here
    random_idxs = jax.random.randint(k3, (SAMPLES,), 0, BATCH, dtype=jnp.int32)
    return {"encodings": encodings, "categorical": categorical, "random_idxs": random_idxs}


def reference(encodings, categorical, random_idxs):
    hard_groups = jnp.argmax(categorical, axis=1)
    max_groups = jnp.max(categorical, axis=1)

    def neigh_entropy(idx):
        query = jnp.take(encodings, idx, axis=0)
        dists = jnp.linalg.norm(encodings - query[None, :], axis=1)
        max_d = jnp.sort(dists)[K]
        mask = (dists < max_d).astype(jnp.float32)
        # bincount of cluster labels restricted to the neighborhood
        counts = jnp.zeros((NCLUST,), jnp.float32).at[hard_groups].add(mask)
        bins = counts / jnp.sum(mask)
        return -jnp.sum(bins * jnp.log(bins + 1e-05))

    purity_vector = jax.vmap(neigh_entropy)(random_idxs)
    neighbourhood_entropy = purity_vector * jnp.take(max_groups, random_idxs)

    # metric: number of populated clusters among confident assignments
    sel = (max_groups >= MIN_CONF).astype(jnp.float32)
    pop_counts = jnp.zeros((NCLUST,), jnp.float32).at[hard_groups].add(sel)
    n_populated = jnp.sum((pop_counts > 0).astype(jnp.float32))

    # identity layer: primary output is encodings; metrics returned so KNN work is live
    return encodings, neighbourhood_entropy, n_populated

if __name__ == "__main__":
    import jax
    _d = setup_inputs()
    print(jax.jit(kernel)(*tuple(_d.values())))

</pallas_src>

<mosaic_0001>
#map = affine_map<(d0, d1) -> (0, 0)>
#map1 = affine_map<(d0, d1) -> (0)>
module attributes {stable_mosaic.version = 14 : i64} {
  func.func @k(%arg0: i32, %arg1: i32, %arg2: memref<4096x512xf32, #tpu.memory_space<hbm>>, %arg3: memref<4096xi32, #tpu.memory_space<hbm>>, %arg4: memref<4096x512xf32, #tpu.memory_space<hbm>>, %arg5: memref<128xi32, #tpu.memory_space<vmem>>, %arg6: memref<128x512xf32, #tpu.memory_space<vmem>>, %arg7: memref<!tpu.dma_semaphore, #tpu.memory_space<semaphore_mem>>) attributes {dimension_semantics = [#tpu.dimension_semantics<core_parallel>, #tpu.dimension_semantics<subcore_parallel>], iteration_bounds = array<i64: 2, 16>, scalar_prefetch = 0 : i64, scratch_operands = 3 : i64, tpu.core_type = #tpu.core_type<sc_vector_subcore>, window_params = [{transform_indices = #map}, {transform_indices = #map1}, {transform_indices = #map}]} {
    %mul3A = arith.constant 2 : i32
    %mul3A_0 = arith.muli %arg1, %mul3A : i32
    %add3A = arith.addi %mul3A_0, %arg0 : i32
    %mul3A_1 = arith.constant 128 : i32
    %mul3A_2 = arith.muli %add3A, %mul3A_1 : i32
    "tpu.region"() ({
      %run_scoped3A = tpu.sem_alloc : memref<!tpu.dma_semaphore, #tpu.memory_space<semaphore_mem>>
      %dma_start3A_7 = tpu.memref_slice %arg3[%mul3A_2] : memref<4096xi32, #tpu.memory_space<hbm>> -> memref<128xi32, #tpu.memory_space<hbm>>
      %dma_start3A_8 = tpu.memref_slice %arg3[%mul3A_2] : memref<4096xi32, #tpu.memory_space<hbm>> -> memref<128xi32, #tpu.memory_space<hbm>>
      tpu.enqueue_dma source(%dma_start3A_8 : memref<128xi32, #tpu.memory_space<hbm>>) target(%arg5 : memref<128xi32, #tpu.memory_space<vmem>>) target_semaphore(%run_scoped3A : memref<!tpu.dma_semaphore, #tpu.memory_space<semaphore_mem>>)
      %dma_wait3A_9 = tpu.memref_slice %arg3[%mul3A_2] : memref<4096xi32, #tpu.memory_space<hbm>> -> memref<128xi32, #tpu.memory_space<hbm>>
      %dma_wait3A_10 = tpu.memref_slice %arg3[%mul3A_2] : memref<4096xi32, #tpu.memory_space<hbm>> -> memref<128xi32, #tpu.memory_space<hbm>>
      tpu.wait_dma2 semaphore(%run_scoped3A : memref<!tpu.dma_semaphore, #tpu.memory_space<semaphore_mem>>) src(%dma_wait3A_10 : memref<128xi32, #tpu.memory_space<hbm>>) dst(%arg5 : memref<128xi32, #tpu.memory_space<vmem>>)
      tpu.yield
    }) : () -> ()
    %dma_start3A = arith.constant 0 : i32
    %dma_start3A_3 = arith.constant 0 : i32
    %dma_start3A_4 = tpu.memref_slice %arg2[%dma_start3A, %dma_start3A_3] : memref<4096x512xf32, #tpu.memory_space<hbm>> -> memref<4096x512xf32, #tpu.memory_space<hbm>>
    tpu.enqueue_indirect_dma source(%dma_start3A_4 : memref<4096x512xf32, #tpu.memory_space<hbm>>) target(%arg6 : memref<128x512xf32, #tpu.memory_space<vmem>>) offsets(%arg5 : memref<128xi32, #tpu.memory_space<vmem>>) semaphore(%arg7 : memref<!tpu.dma_semaphore, #tpu.memory_space<semaphore_mem>>)
    %dma_wait3A = arith.constant 0 : i32
    %dma_wait3A_5 = arith.constant 0 : i32
    %dma_wait3A_6 = tpu.memref_slice %arg2[%dma_wait3A, %dma_wait3A_5] : memref<4096x512xf32, #tpu.memory_space<hbm>> -> memref<4096x512xf32, #tpu.memory_space<hbm>>
    tpu.wait_indirect_dma semaphore(%arg7 : memref<!tpu.dma_semaphore, #tpu.memory_space<semaphore_mem>>) src(%dma_wait3A_6 : memref<4096x512xf32, #tpu.memory_space<hbm>>) dst(%arg6 : memref<128x512xf32, #tpu.memory_space<vmem>>)
    "tpu.region"() ({
      %run_scoped3A = tpu.sem_alloc : memref<!tpu.dma_semaphore, #tpu.memory_space<semaphore_mem>>
      %dma_start3A_7 = arith.constant 0 : i32
      %dma_start3A_8 = tpu.memref_slice %arg4[%mul3A_2, %dma_start3A_7] : memref<4096x512xf32, #tpu.memory_space<hbm>> -> memref<128x512xf32, #tpu.memory_space<hbm>>
      %dma_start3A_9 = arith.constant 0 : i32
      %dma_start3A_10 = tpu.memref_slice %arg4[%mul3A_2, %dma_start3A_9] : memref<4096x512xf32, #tpu.memory_space<hbm>> -> memref<128x512xf32, #tpu.memory_space<hbm>>
      tpu.enqueue_dma source(%arg6 : memref<128x512xf32, #tpu.memory_space<vmem>>) target(%dma_start3A_10 : memref<128x512xf32, #tpu.memory_space<hbm>>) target_semaphore(%run_scoped3A : memref<!tpu.dma_semaphore, #tpu.memory_space<semaphore_mem>>)
      %dma_wait3A_11 = arith.constant 0 : i32
      %dma_wait3A_12 = tpu.memref_slice %arg4[%mul3A_2, %dma_wait3A_11] : memref<4096x512xf32, #tpu.memory_space<hbm>> -> memref<128x512xf32, #tpu.memory_space<hbm>>
      %dma_wait3A_13 = arith.constant 0 : i32
      %dma_wait3A_14 = tpu.memref_slice %arg4[%mul3A_2, %dma_wait3A_13] : memref<4096x512xf32, #tpu.memory_space<hbm>> -> memref<128x512xf32, #tpu.memory_space<hbm>>
      tpu.wait_dma2 semaphore(%run_scoped3A : memref<!tpu.dma_semaphore, #tpu.memory_space<semaphore_mem>>) src(%arg6 : memref<128x512xf32, #tpu.memory_space<vmem>>) dst(%dma_wait3A_14 : memref<128x512xf32, #tpu.memory_space<hbm>>)
      tpu.yield
    }) : () -> ()
    return
  }
}

module attributes {stable_mosaic.version = 14 : i64} {
  func.func @_prep_body(%arg0: memref<4096x512xf32, #tpu.memory_space<vmem>>, %arg1: memref<4096x32xf32, #tpu.memory_space<vmem>>, %arg2: memref<1x4096xf32, #tpu.memory_space<vmem>>, %arg3: memref<4096x512xbf16, #tpu.memory_space<vmem>>, %arg4: memref<4096x512xbf16, #tpu.memory_space<vmem>>, %arg5: memref<4096x32xbf16, #tpu.memory_space<vmem>>, %arg6: memref<4096x1xbf16, #tpu.memory_space<vmem>>, %arg7: memref<4096x1xbf16, #tpu.memory_space<vmem>>, %arg8: memref<1x1xf32, #tpu.memory_space<smem>>) attributes {dimension_semantics = [], scalar_prefetch = 0 : i64, scratch_operands = 0 : i64, tpu.core_type = #tpu.core_type<tc>} {
    %get3A = arith.constant 0 : index
    %get3A_0 = arith.constant 0 : index
    %get3A_1 = vector.load %arg0[%get3A, %get3A_0] : memref<4096x512xf32, #tpu.memory_space<vmem>>, vector<4096x512xf32>
    %mul3A = arith.mulf %get3A_1, %get3A_1 : vector<4096x512xf32>
    %reduce_sum3A = arith.constant dense<0.000000e+00> : vector<4096xf32>
    %reduce_sum3A_2 = vector.multi_reduction <add>, %mul3A, %reduce_sum3A [1] : vector<4096x512xf32> to vector<4096xf32>
    %broadcast_in_dim3A = vector.shape_cast %reduce_sum3A_2 : vector<4096xf32> to vector<1x4096xf32>
    %swap3A = arith.constant 0 : index
    %swap3A_3 = arith.constant 0 : index
    %swap3A_4 = vector.load %arg2[%swap3A, %swap3A_3] : memref<1x4096xf32, #tpu.memory_space<vmem>>, vector<1x4096xf32>
    tpu.vector_store %arg2[%swap3A, %swap3A_3], %broadcast_in_dim3A {strides = array<i32>} : memref<1x4096xf32, #tpu.memory_space<vmem>>, vector<1x4096xf32>,
    %convert_element_type3A = arith.truncf %get3A_1 : vector<4096x512xf32> to vector<4096x512xbf16>
    %swap3A_5 = arith.constant 0 : index
    %swap3A_6 = arith.constant 0 : index
    %swap3A_7 = vector.load %arg3[%swap3A_5, %swap3A_6] : memref<4096x512xbf16, #tpu.memory_space<vmem>>, vector<4096x512xbf16>
    tpu.vector_store %arg3[%swap3A_5, %swap3A_6], %convert_element_type3A {strides = array<i32>} : memref<4096x512xbf16, #tpu.memory_space<vmem>>, vector<4096x512xbf16>,
    %convert_element_type3A_8 = arith.extf %convert_element_type3A : vector<4096x512xbf16> to vector<4096x512xf32>
    %sub3A = arith.subf %get3A_1, %convert_element_type3A_8 : vector<4096x512xf32>
    %convert_element_type3A_9 = arith.truncf %sub3A : vector<4096x512xf32> to vector<4096x512xbf16>
    %swap3A_10 = arith.constant 0 : index
    %swap3A_11 = arith.constant 0 : index
    %swap3A_12 = vector.load %arg4[%swap3A_10, %swap3A_11] : memref<4096x512xbf16, #tpu.memory_space<vmem>>, vector<4096x512xbf16>
    tpu.vector_store %arg4[%swap3A_10, %swap3A_11], %convert_element_type3A_9 {strides = array<i32>} : memref<4096x512xbf16, #tpu.memory_space<vmem>>, vector<4096x512xbf16>,
    %get3A_13 = arith.constant 0 : index
    %get3A_14 = arith.constant 0 : index
    %get3A_15 = vector.load %arg1[%get3A_13, %get3A_14] : memref<4096x32xf32, #tpu.memory_space<vmem>>, vector<4096x32xf32>
    %reduce_max3A = arith.constant dense<0xFF800000> : vector<4096xf32>
    %reduce_max3A_16 = vector.multi_reduction <maximumf>, %get3A_15, %reduce_max3A [1] : vector<4096x32xf32> to vector<4096xf32>
    %broadcast_in_dim3A_17 = vector.shape_cast %reduce_max3A_16 : vector<4096xf32> to vector<4096x1xf32>
    %iota3A = tpu.iota {dimensions = array<i32: 1>} : vector<4096x32xi32>
    %eq3A = vector.broadcast %broadcast_in_dim3A_17 : vector<4096x1xf32> to vector<4096x32xf32>
    %eq3A_18 = arith.cmpf oeq, %get3A_15, %eq3A : vector<4096x32xf32>
    %jit3A = arith.constant 32 : i32
    %broadcast_in_dim3A_19 = vector.broadcast %jit3A : i32 to vector<4096x32xi32>
    %select_n3A = arith.select %eq3A_18, %iota3A, %broadcast_in_dim3A_19 : vector<4096x32xi1>, vector<4096x32xi32>
    %reduce_min3A = arith.constant dense<2147483647> : vector<4096xi32>
    %reduce_min3A_20 = vector.multi_reduction <minsi>, %select_n3A, %reduce_min3A [1] : vector<4096x32xi32> to vector<4096xi32>
    %broadcast_in_dim3A_21 = vector.shape_cast %reduce_min3A_20 : vector<4096xi32> to vector<4096x1xi32>
    %eq3A_22 = vector.broadcast %broadcast_in_dim3A_21 : vector<4096x1xi32> to vector<4096x32xi32>
    %eq3A_23 = arith.cmpi eq, %iota3A, %eq3A_22 : vector<4096x32xi32>
    %convert_element_type3A_24 = arith.extui %eq3A_23 : vector<4096x32xi1> to vector<4096x32xi32>
    %convert_element_type3A_25 = arith.sitofp %convert_element_type3A_24 : vector<4096x32xi32> to vector<4096x32xf32>
    %convert_element_type3A_26 = arith.truncf %convert_element_type3A_25 : vector<4096x32xf32> to vector<4096x32xbf16>
    %swap3A_27 = arith.constant 0 : index
    %swap3A_28 = arith.constant 0 : index
    %swap3A_29 = vector.load %arg5[%swap3A_27, %swap3A_28] : memref<4096x32xbf16, #tpu.memory_space<vmem>>, vector<4096x32xbf16>
    tpu.vector_store %arg5[%swap3A_27, %swap3A_28], %convert_element_type3A_26 {strides = array<i32>} : memref<4096x32xbf16, #tpu.memory_space<vmem>>, vector<4096x32xbf16>,
    %convert_element_type3A_30 = arith.truncf %broadcast_in_dim3A_17 : vector<4096x1xf32> to vector<4096x1xbf16>
    %swap3A_31 = arith.constant 0 : index
    %swap3A_32 = arith.constant 0 : index
    %swap3A_33 = vector.load %arg6[%swap3A_31, %swap3A_32] : memref<4096x1xbf16, #tpu.memory_space<vmem>>, vector<4096x1xbf16>
    tpu.vector_store %arg6[%swap3A_31, %swap3A_32], %convert_element_type3A_30 {strides = array<i32>} : memref<4096x1xbf16, #tpu.memory_space<vmem>>, vector<4096x1xbf16>,
    %convert_element_type3A_34 = arith.extf %convert_element_type3A_30 : vector<4096x1xbf16> to vector<4096x1xf32>
    %sub3A_35 = arith.subf %broadcast_in_dim3A_17, %convert_element_type3A_34 : vector<4096x1xf32>
    %convert_element_type3A_36 = arith.truncf %sub3A_35 : vector<4096x1xf32> to vector<4096x1xbf16>
    %swap3A_37 = arith.constant 0 : index
    %swap3A_38 = arith.constant 0 : index
    %swap3A_39 = vector.load %arg7[%swap3A_37, %swap3A_38] : memref<4096x1xbf16, #tpu.memory_space<vmem>>, vector<4096x1xbf16>
    tpu.vector_store %arg7[%swap3A_37, %swap3A_38], %convert_element_type3A_36 {strides = array<i32>} : memref<4096x1xbf16, #tpu.memory_space<vmem>>, vector<4096x1xbf16>,
    %ge3A = arith.constant 2.500000e-01 : f32
    %ge3A_40 = vector.broadcast %ge3A : f32 to vector<4096x1xf32>
    %ge3A_41 = arith.cmpf oge, %broadcast_in_dim3A_17, %ge3A_40 : vector<4096x1xf32>
    %convert_element_type3A_42 = arith.extui %ge3A_41 : vector<4096x1xi1> to vector<4096x1xi32>
    %convert_element_type3A_43 = arith.sitofp %convert_element_type3A_42 : vector<4096x1xi32> to vector<4096x1xf32>
    %convert_element_type3A_44 = arith.truncf %convert_element_type3A_43 : vector<4096x1xf32> to vector<4096x1xbf16>
    %dot_general3A = arith.constant dense<0.000000e+00> : vector<1x32xf32>
    %dot_general3A_45 = tpu.matmul %convert_element_type3A_44, %convert_element_type3A_26, %dot_general3A {dimension_numbers = #tpu.dot_dimension_numbers<[0], [0], [1], [1], [0, 1, 1, 1], [], []>, transpose_lhs_hint = false} : vector<4096x1xbf16>, vector<4096x32xbf16>, vector<1x32xf32> -> vector<1x32xf32>
    %gt3A = arith.constant 0.000000e+00 : f32
    %gt3A_46 = vector.broadcast %gt3A : f32 to vector<1x32xf32>
    %gt3A_47 = arith.cmpf ogt, %dot_general3A_45, %gt3A_46 : vector<1x32xf32>
    %convert_element_type3A_48 = arith.extui %gt3A_47 : vector<1x32xi1> to vector<1x32xi32>
    %convert_element_type3A_49 = arith.sitofp %convert_element_type3A_48 : vector<1x32xi32> to vector<1x32xf32>
    %reduce_sum3A_50 = vector.shape_cast %convert_element_type3A_49 : vector<1x32xf32> to vector<1x1x32xf32>
    %reduce_sum3A_51 = arith.constant dense<0.000000e+00> : vector<1xf32>
    %reduce_sum3A_52 = vector.multi_reduction <add>, %reduce_sum3A_50, %reduce_sum3A_51 [1, 2] : vector<1x1x32xf32> to vector<1xf32>
    %reduce_sum3A_53 = vector.shape_cast %reduce_sum3A_52 : vector<1xf32> to vector<1x1x1xf32>
    %reduce_sum3A_54 = vector.extract %reduce_sum3A_53[0, 0, 0] : f32 from vector<1x1x1xf32>
    %swap3A_55 = arith.constant 0 : index
    %swap3A_56 = arith.constant 0 : index
    %swap3A_57 = memref.load %arg8[%swap3A_55, %swap3A_56] : memref<1x1xf32, #tpu.memory_space<smem>>
    memref.store %reduce_sum3A_54, %arg8[%swap3A_55, %swap3A_56] : memref<1x1xf32, #tpu.memory_space<smem>>
    return
  }
}

module attributes {stable_mosaic.version = 14 : i64} {
  func.func @_main_body(%arg0: i32, %arg1: memref<1x4096xf32, #tpu.memory_space<vmem>>, %arg2: memref<4096x512xbf16, #tpu.memory_space<vmem>>, %arg3: memref<4096x512xbf16, #tpu.memory_space<vmem>>, %arg4: memref<4096x32xbf16, #tpu.memory_space<vmem>>, %arg5: memref<4096x1xbf16, #tpu.memory_space<vmem>>, %arg6: memref<4096x1xbf16, #tpu.memory_space<vmem>>, %arg7: memref<1024x512xf32, #tpu.memory_space<vmem>>, %arg8: memref<1024xi32, #tpu.memory_space<vmem>>, %arg9: memref<1024xf32, #tpu.memory_space<vmem>>) attributes {dimension_semantics = [#tpu.dimension_semantics<arbitrary>], iteration_bounds = array<i64: 4>, scalar_prefetch = 0 : i64, scratch_operands = 0 : i64, tpu.core_type = #tpu.core_type<tc>, window_params = [{pipeline_mode = #tpu.pipeline_mode<synchronous>, transform_indices = @transform_0, window_bounds = array<i64: 1, 4096>}, {pipeline_mode = #tpu.pipeline_mode<synchronous>, transform_indices = @transform_1, window_bounds = array<i64: 4096, 512>}, {pipeline_mode = #tpu.pipeline_mode<synchronous>, transform_indices = @transform_2, window_bounds = array<i64: 4096, 512>}, {pipeline_mode = #tpu.pipeline_mode<synchronous>, transform_indices = @transform_3, window_bounds = array<i64: 4096, 32>}, {pipeline_mode = #tpu.pipeline_mode<synchronous>, transform_indices = @transform_4, window_bounds = array<i64: 4096, 1>}, {pipeline_mode = #tpu.pipeline_mode<synchronous>, transform_indices = @transform_5, window_bounds = array<i64: 4096, 1>}, {transform_indices = @transform_6, window_bounds = array<i64: 1024, 512>}, {transform_indices = @transform_7, window_bounds = array<i64: 1024>}, {transform_indices = @transform_8, window_bounds = array<i64: 1024>}]} {
    %get3A = arith.constant 0 : index
    %get3A_0 = arith.constant 0 : index
    %get3A_1 = vector.load %arg7[%get3A, %get3A_0] : memref<1024x512xf32, #tpu.memory_space<vmem>>, vector<1024x512xf32>
    %convert_element_type3A = arith.truncf %get3A_1 : vector<1024x512xf32> to vector<1024x512xbf16>
    %convert_element_type3A_2 = arith.extf %convert_element_type3A : vector<1024x512xbf16> to vector<1024x512xf32>
    %sub3A = arith.subf %get3A_1, %convert_element_type3A_2 : vector<1024x512xf32>
    %convert_element_type3A_3 = arith.truncf %sub3A : vector<1024x512xf32> to vector<1024x512xbf16>
    %get3A_4 = arith.constant 0 : index
    %get3A_5 = arith.constant 0 : index
    %get3A_6 = vector.load %arg2[%get3A_4, %get3A_5] : memref<4096x512xbf16, #tpu.memory_space<vmem>>, vector<4096x512xbf16>
    %dot_general3A = arith.constant dense<0.000000e+00> : vector<1024x4096xf32>
    %dot_general3A_7 = tpu.matmul %convert_element_type3A, %get3A_6, %dot_general3A {dimension_numbers = #tpu.dot_dimension_numbers<[1], [1], [0], [0], [0, 0, 1, 0], [], []>, transpose_lhs_hint = false} : vector<1024x512xbf16>, vector<4096x512xbf16>, vector<1024x4096xf32> -> vector<1024x4096xf32>
    %get3A_8 = arith.constant 0 : index
    %get3A_9 = arith.constant 0 : index
    %get3A_10 = vector.load %arg3[%get3A_8, %get3A_9] : memref<4096x512xbf16, #tpu.memory_space<vmem>>, vector<4096x512xbf16>
    %dot_general3A_11 = arith.constant dense<0.000000e+00> : vector<1024x4096xf32>
    %dot_general3A_12 = tpu.matmul %convert_element_type3A, %get3A_10, %dot_general3A_11 {dimension_numbers = #tpu.dot_dimension_numbers<[1], [1], [0], [0], [0, 0, 1, 0], [], []>, transpose_lhs_hint = false} : vector<1024x512xbf16>, vector<4096x512xbf16>, vector<1024x4096xf32> -> vector<1024x4096xf32>
    %add3A = arith.addf %dot_general3A_7, %dot_general3A_12 : vector<1024x4096xf32>
    %get3A_13 = arith.constant 0 : index
    %get3A_14 = arith.constant 0 : index
    %get3A_15 = vector.load %arg2[%get3A_13, %get3A_14] : memref<4096x512xbf16, #tpu.memory_space<vmem>>, vector<4096x512xbf16>
    %dot_general3A_16 = arith.constant dense<0.000000e+00> : vector<1024x4096xf32>
    %dot_general3A_17 = tpu.matmul %convert_element_type3A_3, %get3A_15, %dot_general3A_16 {dimension_numbers = #tpu.dot_dimension_numbers<[1], [1], [0], [0], [0, 0, 1, 0], [], []>, transpose_lhs_hint = false} : vector<1024x512xbf16>, vector<4096x512xbf16>, vector<1024x4096xf32> -> vector<1024x4096xf32>
    %add3A_18 = arith.addf %add3A, %dot_general3A_17 : vector<1024x4096xf32>
    %mul3A = arith.mulf %get3A_1, %get3A_1 : vector<1024x512xf32>
    %reduce_sum3A = arith.constant dense<0.000000e+00> : vector<1024xf32>
    %reduce_sum3A_19 = vector.multi_reduction <add>, %mul3A, %reduce_sum3A [1] : vector<1024x512xf32> to vector<1024xf32>
    %broadcast_in_dim3A = vector.shape_cast %reduce_sum3A_19 : vector<1024xf32> to vector<1024x1xf32>
    %get3A_20 = arith.constant 0 : index
    %get3A_21 = arith.constant 0 : index
    %get3A_22 = vector.load %arg1[%get3A_20, %get3A_21] : memref<1x4096xf32, #tpu.memory_space<vmem>>, vector<1x4096xf32>
    %add3A_23 = vector.broadcast %broadcast_in_dim3A : vector<1024x1xf32> to vector<1024x4096xf32>
    %add3A_24 = vector.broadcast %get3A_22 : vector<1x4096xf32> to vector<1024x4096xf32>
    %add3A_25 = arith.addf %add3A_23, %add3A_24 : vector<1024x4096xf32>
    %mul3A_26 = arith.constant 2.000000e+00 : f32
    %mul3A_27 = vector.broadcast %mul3A_26 : f32 to vector<1024x4096xf32>
    %mul3A_28 = arith.mulf %mul3A_27, %add3A_18 : vector<1024x4096xf32>
    %sub3A_29 = arith.subf %add3A_25, %mul3A_28 : vector<1024x4096xf32>
    %max3A = arith.constant 0.000000e+00 : f32
    %max3A_30 = vector.broadcast %max3A : f32 to vector<1024x4096xf32>
    %max3A_31 = arith.maximumf %sub3A_29, %max3A_30 : vector<1024x4096xf32>
    %bitcast_convert_type3A = tpu.bitcast %max3A_31 : vector<1024x4096xf32> -> vector<1024x4096xi32>
    %broadcast_in_dim3A_32 = arith.constant 1.000000e+00 : bf16
    %broadcast_in_dim3A_33 = vector.broadcast %broadcast_in_dim3A_32 : bf16 to vector<4096x1xbf16>
    %broadcast_in_dim3A_34 = arith.constant 0 : i32
    %broadcast_in_dim3A_35 = vector.broadcast %broadcast_in_dim3A_34 : i32 to vector<1024x1xi32>
    %scan3A = arith.constant 0 : i32
    %scan3A_36 = arith.constant 31 : i32
    %scan3A_37 = arith.addi %scan3A, %scan3A_36 : i32
    %scan3A_38 = arith.constant 1 : i32
    %scan3A_39 = scf.for %scan3A_82 = %scan3A to %scan3A_37 step %scan3A_38 iter_args(%scan3A_83 = %broadcast_in_dim3A_35) -> (vector<1024x1xi32>)  : i32 {
      %sub3A_84 = arith.constant 30 : i32
      %sub3A_85 = arith.subi %sub3A_84, %scan3A_82 : i32
      %shift_left3A = arith.constant 1 : i32
      %shift_left3A_86 = arith.shli %shift_left3A, %sub3A_85 : i32
      %add3A_87 = vector.broadcast %shift_left3A_86 : i32 to vector<1024x1xi32>
      %add3A_88 = arith.addi %scan3A_83, %add3A_87 : vector<1024x1xi32>
      %lt3A_89 = vector.broadcast %add3A_88 : vector<1024x1xi32> to vector<1024x4096xi32>
      %lt3A_90 = arith.cmpi slt, %bitcast_convert_type3A, %lt3A_89 : vector<1024x4096xi32>
      %convert_element_type3A_91 = arith.extui %lt3A_90 : vector<1024x4096xi1> to vector<1024x4096xi32>
      %convert_element_type3A_92 = arith.sitofp %convert_element_type3A_91 : vector<1024x4096xi32> to vector<1024x4096xf32>
      %convert_element_type3A_93 = arith.truncf %convert_element_type3A_92 : vector<1024x4096xf32> to vector<1024x4096xbf16>
      %dot_general3A_94 = arith.constant dense<0.000000e+00> : vector<1024x1xf32>
      %dot_general3A_95 = tpu.matmul %convert_element_type3A_93, %broadcast_in_dim3A_33, %dot_general3A_94 {dimension_numbers = #tpu.dot_dimension_numbers<[1], [0], [0], [1], [0, 0, 1, 1], [], []>, transpose_lhs_hint = false} : vector<1024x4096xbf16>, vector<4096x1xbf16>, vector<1024x1xf32> -> vector<1024x1xf32>
      %ge3A = arith.constant 2.600000e+01 : f32
      %ge3A_96 = vector.broadcast %ge3A : f32 to vector<1024x1xf32>
      %ge3A_97 = arith.cmpf oge, %dot_general3A_95, %ge3A_96 : vector<1024x1xf32>
      %select_n3A = arith.select %ge3A_97, %scan3A_83, %add3A_88 : vector<1024x1xi1>, vector<1024x1xi32>
      scf.yield %select_n3A : vector<1024x1xi32>
    }
    %scan3A_40 = arith.constant 31 : i32
    %lt3A = vector.broadcast %scan3A_39 : vector<1024x1xi32> to vector<1024x4096xi32>
    %lt3A_41 = arith.cmpi slt, %bitcast_convert_type3A, %lt3A : vector<1024x4096xi32>
    %convert_element_type3A_42 = arith.extui %lt3A_41 : vector<1024x4096xi1> to vector<1024x4096xi32>
    %convert_element_type3A_43 = arith.sitofp %convert_element_type3A_42 : vector<1024x4096xi32> to vector<1024x4096xf32>
    %convert_element_type3A_44 = arith.truncf %convert_element_type3A_43 : vector<1024x4096xf32> to vector<1024x4096xbf16>
    %get3A_45 = arith.constant 0 : index
    %get3A_46 = arith.constant 0 : index
    %get3A_47 = vector.load %arg4[%get3A_45, %get3A_46] : memref<4096x32xbf16, #tpu.memory_space<vmem>>, vector<4096x32xbf16>
    %dot_general3A_48 = arith.constant dense<0.000000e+00> : vector<1024x32xf32>
    %dot_general3A_49 = tpu.matmul %convert_element_type3A_44, %get3A_47, %dot_general3A_48 {dimension_numbers = #tpu.dot_dimension_numbers<[1], [0], [0], [1], [0, 0, 1, 1], [], []>, transpose_lhs_hint = false} : vector<1024x4096xbf16>, vector<4096x32xbf16>, vector<1024x32xf32> -> vector<1024x32xf32>
    %reduce_sum3A_50 = arith.constant dense<0.000000e+00> : vector<1024xf32>
    %reduce_sum3A_51 = vector.multi_reduction <add>, %dot_general3A_49, %reduce_sum3A_50 [1] : vector<1024x32xf32> to vector<1024xf32>
    %broadcast_in_dim3A_52 = vector.shape_cast %reduce_sum3A_51 : vector<1024xf32> to vector<1024x1xf32>
    %div3A = vector.broadcast %broadcast_in_dim3A_52 : vector<1024x1xf32> to vector<1024x32xf32>
    %div3A_53 = arith.divf %dot_general3A_49, %div3A : vector<1024x32xf32>
    %add3A_54 = arith.constant 9.99999974E-6 : f32
    %add3A_55 = vector.broadcast %add3A_54 : f32 to vector<1024x32xf32>
    %add3A_56 = arith.addf %div3A_53, %add3A_55 : vector<1024x32xf32>
    %log3A = math.log %add3A_56 : vector<1024x32xf32>
    %mul3A_57 = arith.mulf %div3A_53, %log3A : vector<1024x32xf32>
    %reduce_sum3A_58 = arith.constant dense<0.000000e+00> : vector<1024xf32>
    %reduce_sum3A_59 = vector.multi_reduction <add>, %mul3A_57, %reduce_sum3A_58 [1] : vector<1024x32xf32> to vector<1024xf32>
    %neg3A = arith.constant 0.000000e+00 : f32
    %neg3A_60 = vector.broadcast %neg3A : f32 to vector<1024xf32>
    %neg3A_61 = arith.subf %neg3A_60, %reduce_sum3A_59 : vector<1024xf32>
    %get3A_62 = arith.constant 0 : index
    %get3A_63 = vector.load %arg8[%get3A_62] : memref<1024xi32, #tpu.memory_space<vmem>>, vector<1024xi32>
    %iota3A = tpu.iota {dimensions = array<i32: 1>} : vector<1024x4096xi32>
    %broadcast_in_dim3A_64 = vector.shape_cast %get3A_63 : vector<1024xi32> to vector<1024x1xi32>
    %eq3A = vector.broadcast %broadcast_in_dim3A_64 : vector<1024x1xi32> to vector<1024x4096xi32>
    %eq3A_65 = arith.cmpi eq, %eq3A, %iota3A : vector<1024x4096xi32>
    %convert_element_type3A_66 = arith.extui %eq3A_65 : vector<1024x4096xi1> to vector<1024x4096xi32>
    %convert_element_type3A_67 = arith.sitofp %convert_element_type3A_66 : vector<1024x4096xi32> to vector<1024x4096xf32>
    %convert_element_type3A_68 = arith.truncf %convert_element_type3A_67 : vector<1024x4096xf32> to vector<1024x4096xbf16>
    %get3A_69 = arith.constant 0 : index
    %get3A_70 = arith.constant 0 : index
    %get3A_71 = vector.load %arg5[%get3A_69, %get3A_70] : memref<4096x1xbf16, #tpu.memory_space<vmem>>, vector<4096x1xbf16>
    %dot_general3A_72 = arith.constant dense<0.000000e+00> : vector<1024x1xf32>
    %dot_general3A_73 = tpu.matmul %convert_element_type3A_68, %get3A_71, %dot_general3A_72 {dimension_numbers = #tpu.dot_dimension_numbers<[1], [0], [0], [1], [0, 0, 1, 1], [], []>, transpose_lhs_hint = false} : vector<1024x4096xbf16>, vector<4096x1xbf16>, vector<1024x1xf32> -> vector<1024x1xf32>
    %get3A_74 = arith.constant 0 : index
    %get3A_75 = arith.constant 0 : index
    %get3A_76 = vector.load %arg6[%get3A_74, %get3A_75] : memref<4096x1xbf16, #tpu.memory_space<vmem>>, vector<4096x1xbf16>
    %dot_general3A_77 = arith.constant dense<0.000000e+00> : vector<1024x1xf32>
    %dot_general3A_78 = tpu.matmul %convert_element_type3A_68, %get3A_76, %dot_general3A_77 {dimension_numbers = #tpu.dot_dimension_numbers<[1], [0], [0], [1], [0, 0, 1, 1], [], []>, transpose_lhs_hint = false} : vector<1024x4096xbf16>, vector<4096x1xbf16>, vector<1024x1xf32> -> vector<1024x1xf32>
    %add3A_79 = arith.addf %dot_general3A_73, %dot_general3A_78 : vector<1024x1xf32>
    %squeeze3A = vector.shape_cast %add3A_79 : vector<1024x1xf32> to vector<1024xf32>
    %mul3A_80 = arith.mulf %neg3A_61, %squeeze3A : vector<1024xf32>
    %swap3A = arith.constant 0 : index
    %swap3A_81 = vector.load %arg9[%swap3A] : memref<1024xf32, #tpu.memory_space<vmem>>, vector<1024xf32>
    tpu.vector_store %arg9[%swap3A], %mul3A_80 {strides = array<i32>} : memref<1024xf32, #tpu.memory_space<vmem>>, vector<1024xf32>,
    return
  }
  func.func @transform_0(%arg0: i32) -> (i32, i32) {
    %c0_i32 = arith.constant 0 : i32
    %c0_i32_0 = arith.constant 0 : i32
    %c0_i32_1 = arith.constant 0 : i32
    return %c0_i32, %c0_i32_0 : i32, i32
  }
  func.func @transform_1(%arg0: i32) -> (i32, i32) {
    %c0_i32 = arith.constant 0 : i32
    %c0_i32_0 = arith.constant 0 : i32
    %c0_i32_1 = arith.constant 0 : i32
    return %c0_i32, %c0_i32_0 : i32, i32
  }
  func.func @transform_2(%arg0: i32) -> (i32, i32) {
    %c0_i32 = arith.constant 0 : i32
    %c0_i32_0 = arith.constant 0 : i32
    %c0_i32_1 = arith.constant 0 : i32
    return %c0_i32, %c0_i32_0 : i32, i32
  }
  func.func @transform_3(%arg0: i32) -> (i32, i32) {
    %c0_i32 = arith.constant 0 : i32
    %c0_i32_0 = arith.constant 0 : i32
    %c0_i32_1 = arith.constant 0 : i32
    return %c0_i32, %c0_i32_0 : i32, i32
  }
  func.func @transform_4(%arg0: i32) -> (i32, i32) {
    %c0_i32 = arith.constant 0 : i32
    %c0_i32_0 = arith.constant 0 : i32
    %c0_i32_1 = arith.constant 0 : i32
    return %c0_i32, %c0_i32_0 : i32, i32
  }
  func.func @transform_5(%arg0: i32) -> (i32, i32) {
    %c0_i32 = arith.constant 0 : i32
    %c0_i32_0 = arith.constant 0 : i32
    %c0_i32_1 = arith.constant 0 : i32
    return %c0_i32, %c0_i32_0 : i32, i32
  }
  func.func @transform_6(%arg0: i32) -> (i32, i32) {
    %c0_i32 = arith.constant 0 : i32
    %c0_i32_0 = arith.constant 0 : i32
    return %arg0, %c0_i32 : i32, i32
  }
  func.func @transform_7(%arg0: i32) -> i32 {
    %c0_i32 = arith.constant 0 : i32
    return %arg0 : i32
  }
  func.func @transform_8(%arg0: i32) -> i32 {
    %c0_i32 = arith.constant 0 : i32
    return %arg0 : i32
  }
}

</mosaic_0001>

<sc_bundles>
// kernel: kernel.5.cloned.1.call-start
scs
__scs_entry_jumppad:
0x0: {  	(pc) =	sbr.rel $0x88, $3  }
0x1: {  	(tag) =	ssettag $0x0;
	lr =	simm.s32 $0x1  }
0x2: {  	[smem:$0x3F9E] =	sst lr;
	_ =	strace $0xD0000000  }
0x3: {  	_ = 	snop  }
0x4: {  	_ = 	snop  }
0x5: {  	_ = 	snop  }
0x6: {  	_ = 	snop  }
0x7: {  	_ = 	snop  }
__scs_overlays_trampoline_lowered:
0x8: {  	[smem:$0x3FAD] =	sst s0  }
0x9: {  	[smem:$0x3FAE] =	sst s1  }
0xa: {  	[smem:$0x3FAF] =	sst s2  }
0xb: {  	[smem:$0x3FB0] =	sst s3  }
0xc: {  	[smem:$0x3FB1] =	sst s4  }
0xd: {  	[smem:$0x3FB2] =	sst s5  }
0xe: {  	[smem:$0x3FB3] =	sst s6  }
0xf: {  	[smem:$0x3FB4] =	sst s7  }
0x10: {  	[smem:$0x3FB5] =	sst s8  }
0x11: {  	[smem:$0x3FB6] =	sst s9;
	s0 =	simm.s32 @!p0 $0x0  }
0x12: {  	s1 =	sld [smem:$0x3F9C];
	s0 =	simm.s32 @p0 $0x1  }
0x13: {  	[smem:$0x3FB7] =	sst s0;
	s0 =	simm.s32 @!p1 $0x0  }
0x14: {  	s2 =	sld [smem:$0x3F9B];
	s0 =	simm.s32 @p1 $0x1  }
0x15: {  	[smem:$0x3FB8] =	sst s0;
	s0 =	simm.s32 @!p2 $0x0  }
0x16: {  	s3 =	sld [smem:$0x3FDB];
	s0 =	simm.s32 @p2 $0x1  }
0x17: {  	s4 =	simm.s32 $0x1BF5;
	[smem:$0x3FBA] =	sst s0  }
0x18: {  	s0 =	sld [smem:$0x3F9D];
	_ =	swait.ge [sflag:s4], $0x0  }
0x19: {  	s7 =	sld [smem:$0x3F9E]  }
0x1a: {  	s8 =	sadd.s32 $0xFFFFE003, lr  }
0x1b: {  	s9 =	sadd.s32 $0xFFFFFEF7, lr;
	s5 =	simm.s32 $0xFFFFFFFF;
	p2 =	slt.u32 s8, $0xFFFFF086  }
0x1c: {  	p1 =	slt.u32 s9, $0xF7A;
	s5 =	simm.s32 @!p2 $0x0  }
0x1d: {  	s5 =	simm.s32 @p1 $0x1;
	p0 =	seq.s32 s7, s2  }
0x1e: {  	s7 =	smul.u32 @!p0 $0xF7A, s2;
	p2 =	seq.s32 @!p0 s5, $0x0  }
0x1f: {  	s9 =	smul.u32 $0xF7A, s1;
	s8 =	simm.s32 @!p0 $0x1BF5;
	p2 =	por !p2, p0  }
0x20: {  	[sflag:s8] =	ssyncset.s32 @!p0 $0xFFFFF086;
	s6 =	sadd.s32 @!p0 s3, s7;
	s7 =	simm.s32 @!p0 $0x108  }
0x21: {  	s3 =	sadd.s32 s3, s9;
	s6 =	sadd.s32 @!p0 $0x88, s6;
	s7 =	simm.s32 @p2 $0x1082  }
0x22: {  	[simem:s7], [sflag:s8] =	dma.local @!p0 [hbm:s6], $0xF7A  }
0x23: {  	s9 =	sor.u32 $0xD0000000, s2;
	s6 =	simm.s32 $0x108;
	_ =	swait.ge @!p0 [sflag:s8], $0x0  }
0x24: {  	s3 =	sadd.s32 $0x88, s3;
	s6 =	simm.s32 @!p1 $0x1082;
	[sflag:s4] =	ssyncset.s32 $0xFFFFF086  }
0x25: {  	[simem:s6], [sflag:s4] =	dma.local [hbm:s3], $0xF7A  }
0x26: {  	[smem:$0x3F9E] =	sst s1;
	(tag) =	ssettag s2;
	_ =	strace s9  }
0x27: {  	s1 =	sld [smem:$0x3FAE]  }
0x28: {  	s2 =	sld [smem:$0x3FAF]  }
0x29: {  	s4 =	sld [smem:$0x3FB1]  }
0x2a: {  	p0 =	seq.s32 s5, $0x0;
	s5 =	sld [smem:$0x3FB2]  }
0x2b: {  	s6 =	sld [smem:$0x3FB3]  }
0x2c: {  	s7 =	sld [smem:$0x3FB4]  }
0x2d: {  	s3 =	simm.s32 $0x108;
	s8 =	sld [smem:$0x3FB5]  }
0x2e: {  	s3 =	simm.s32 @!p0 $0x1082;
	s9 =	sld [smem:$0x3FB6]  }
0x2f: {  	lr =	sadd.s32 s0, s3;
	s0 =	sld [smem:$0x3FAD]  }
0x30: {  	s3 =	sld [smem:$0x3FB0]  }
0x31: {  	[smem:$0x3FB9] =	sst s10  }
0x32: {  	s10 =	sld [smem:$0x3FB7];
	_ =	sdelay $0x3  }
0x33: {  	p0 =	seq.s32 s10, $0x1;
	s10 =	sld [smem:$0x3FB9];
	_ =	sdelay $0x3  }
0x34: {  	[smem:$0x3FB9] =	sst s10  }
0x35: {  	s10 =	sld [smem:$0x3FB8];
	_ =	sdelay $0x3  }
0x36: {  	p1 =	seq.s32 s10, $0x1;
	s10 =	sld [smem:$0x3FB9];
	_ =	sdelay $0x3  }
0x37: {  	[smem:$0x3FB9] =	sst s10  }
0x38: {  	s10 =	sld [smem:$0x3FBA]  }
0x39: {  	_ = 	snop;
	(pc) =	sbr.ind lr, $3  }
0x3a: {  	_ = 	snop  }
0x3b: {  	_ = 	snop  }
0x3c: {  	p2 =	seq.s32 s10, $0x1;
	s10 =	sld [smem:$0x3FB9]  }
0x3d: {  	_ =	shalt  }
0x3e: {  	_ =	shalt  }
0x3f: {  	_ =	shalt  }
0x40: {  	_ =	shalt  }
0x41: {  	_ =	shalt  }
0x42: {  	_ =	shalt  }
0x43: {  	_ =	shalt  }
0x44: {  	_ =	shalt  }
0x45: {  	_ =	shalt  }
0x46: {  	_ =	shalt  }
0x47: {  	_ =	shalt  }
0x48: {  	_ =	shalt  }
0x49: {  	_ =	shalt  }
0x4a: {  	_ =	shalt  }
0x4b: {  	_ =	shalt  }
0x4c: {  	_ =	shalt  }
0x4d: {  	_ =	shalt  }
0x4e: {  	_ =	shalt  }
0x4f: {  	_ =	shalt  }
0x50: {  	_ =	shalt  }
0x51: {  	_ =	shalt  }
0x52: {  	_ =	shalt  }
0x53: {  	_ =	shalt  }
0x54: {  	_ =	shalt  }
0x55: {  	_ =	shalt  }
0x56: {  	_ =	shalt  }
0x57: {  	_ =	shalt  }
0x58: {  	_ =	shalt  }
0x59: {  	_ =	shalt  }
0x5a: {  	_ =	shalt  }
0x5b: {  	_ =	shalt  }
0x5c: {  	_ =	shalt  }
0x5d: {  	_ =	shalt  }
0x5e: {  	_ =	shalt  }
0x5f: {  	_ =	shalt  }
0x60: {  	_ =	shalt  }
0x61: {  	_ =	shalt  }
0x62: {  	_ =	shalt  }
0x63: {  	_ =	shalt  }
0x64: {  	_ =	shalt  }
0x65: {  	_ =	shalt  }
0x66: {  	_ =	shalt  }
0x67: {  	_ =	shalt  }
0x68: {  	_ =	shalt  }
0x69: {  	_ =	shalt  }
0x6a: {  	_ =	shalt  }
0x6b: {  	_ =	shalt  }
0x6c: {  	_ =	shalt  }
0x6d: {  	_ =	shalt  }
0x6e: {  	_ =	shalt  }
0x6f: {  	_ =	shalt  }
0x70: {  	_ =	shalt  }
0x71: {  	_ =	shalt  }
0x72: {  	_ =	shalt  }
0x73: {  	_ =	shalt  }
0x74: {  	_ =	shalt  }
0x75: {  	_ =	shalt  }
0x76: {  	_ =	shalt  }
0x77: {  	_ =	shalt  }
0x78: {  	_ =	shalt  }
0x79: {  	_ =	shalt  }
0x7a: {  	_ =	shalt  }
0x7b: {  	_ =	shalt  }
0x7c: {  	_ =	shalt  }
0x7d: {  	_ =	shalt  }
0x7e: {  	_ =	shalt  }
0x7f: {  	_ =	shalt  }
0x80: {  	_ =	shalt  }
0x81: {  	_ =	shalt  }
0x82: {  	_ =	shalt  }
0x83: {  	_ =	shalt  }
0x84: {  	_ =	shalt  }
0x85: {  	_ =	shalt  }
0x86: {  	_ =	shalt  }
0x87: {  	_ =	shalt  }
.Lfunc_end0:
.L_simem_size_0:
called_computation_lowered:
.L_overlay_start_0:
0x88: {  	s2 =	sld [smem:$0x3FD9]  }
0x89: {  	s3 =	sld [smem:$0x3FFE];
	_ =	sdelay $0x1  }
0x8a: {  	s1 =	srdreg.scid  }
0x8b: {  	s0 =	sand.u32 $0x1, s1  }
0x8c: {  	s15 =	sshll.u32 s0, $0xA;
	s2 =	sadd.s32 s3, s2  }
0x8d: {  	s2 =	sadd.s32 s2, s15  }
0x8e: {  	[smem:$0x3FC5] =	sst s2  }
0x8f: {  	_ = 	snop  }
0x90: {  	s2 =	sld [smem:$0x3FD0];
	_ =	sdelay $0x1  }
0x91: {  	s16 =	sld [smem:$0x3FC9]  }
0x92: {  	s5 =	simm.s32 $0xA;
	s6 =	simm.s32 $0x10;
	s4 =	sld [smem:$0x3FC7]  }
0x93: {  	[smem:s6], [sflag:s5] =	dma.local [hbm:s2], $0x1  }
0x94: {  	_ =	swait.eq [sflag:s5], $0x1  }
0x95: {  	[sflag:s5] =	ssyncset.done $0x0  }
0x96: {  	[sflag:s5] =	ssyncadd.s32 $0xFFFFFFFF  }
0x97: {  	s17 =	sld [smem:$0x10];
	(tm) =	ssettm $0x1  }
0x98: {  	s18 =	sld [smem:$0x3FFB];
	_ =	sdelay $0x3  }
0x99: {  	_ =	strace s18  }
0x9a: {  	s5 =	sld [smem:$0x3FFC];
	_ =	sdelay $0x3  }
0x9b: {  	_ =	strace s5  }
0x9c: {  	s5 =	sld [smem:$0x3FFD];
	_ =	sdelay $0x3  }
0x9d: {  	_ =	strace s5  }
0x9e: {  	_ =	strace $0x8FFFFFFF  }
0x9f: {  	s19 =	sld [smem:$0x3FDB];
	_ =	sdelay $0x1  }
0xa0: {  	s20 =	simm.s32 $_scs_section_size  }
0xa1: {  	s7 =	simm.s32 $_size__tile_overlayer_lowered;
	s8 =	simm.s32 $_tile_overlayer_lowered  }
0xa2: {  	s23 =	simm.s32 $0x1BFF;
	s22 =	sshll.u32 s8, $0x1;
	s5 =	sadd.s32 s20, s19  }
0xa3: {  	s9 =	simm.s32 $0x0;
	s21 =	sshll.u32 s7, $0x1;
	s7 =	sadd.s32 s22, s5  }
0xa4: {  	[timem:s9], [sflag:s23] =	dma.local [hbm:s7], s21  }
0xa5: {  	_ =	swait.ge [sflag:s23], s21  }
0xa6: {  	s6 =	ssub.s32 $0x0, s21;
	[sflag:s23] =	ssyncset.done $0x0  }
0xa7: {  	[sflag:s23] =	ssyncadd.s32 s6;
	_ =	sdelay $0x1  }
0xa8: {  	s24 =	simm.s32 $0x1B8B  }
0xa9: {  	_ =	swait.ge [sflag:s24], $0x1  }
0xaa: {  	[sflag:s24] =	ssyncset.done $0x0  }
0xab: {  	s25 =	simm.s32 $0x1B8E;
	[sflag:s24] =	ssyncadd.s32 $0xFFFFFFFF  }
0xac: {  	s26 =	simm.s32 $execute0_lowered;
	[smem:$0x3FD2] =	sst s25  }
0xad: {  	s6 =	sshll.u32 s26, $0x1;
	_ =	strace $0x80000046;
	[dreg:$0x1] =	wrdreg $0xFFFFFFFF  }
0xae: {  	s28 =	simm.s32 $_size_execute0_lowered;
	s5 =	sadd.s32 s5, s6;
	[dreg:$0x0] =	wrdreg $0x0  }
0xaf: {  	s6 =	sshll.u32 s28, $0x1;
	[dreg:$0x2] =	wrdreg s5  }
0xb0: {  	[dreg:$0x3] =	wrdreg s6  }
0xb1: {  	[dreg:$0x4] =	wrdreg $0xC0  }
0xb2: {  	_ =	task [dreg:s9], $0x5FFFF  }
0xb3: {  	[dreg:$0x1] =	wrdreg $0xFFFFFFFF  }
0xb4: {  	[dreg:$0x0] =	wrdreg $0x60  }
0xb5: {  	[dreg:$0x2] =	wrdreg s16  }
0xb6: {  	[dreg:$0x3] =	wrdreg s4  }
0xb7: {  	[dreg:$0x4] =	wrdreg s17  }
0xb8: {  	[dreg:$0x5] =	wrdreg $0x9  }
0xb9: {  	_ =	task.clear_ibuf [dreg:s9], $0x6FFFF;
	_ =	strace $0x90000046  }
0xba: {  	s29 =	simm.s32 $0x9;
	_ =	strace $0x80000048  }
0xbb: {  	_ =	swait.ge [sflag:s29], $0x1  }
0xbc: {  	[sflag:s29] =	ssyncadd.s32 $0xFFFFFFFF  }
0xbd: {  	_ =	strace $0x90000048  }
0xbe: {  	_ =	sfence  }
0xbf: {  	s30 =	sld [smem:$0x0];
	_ =	sdelay $0x2  }
0xc0: {  	s31 =	sshll.u32 s1, $0xD;
	s1 =	sshrl.u32 s1, $0x2  }
0xc1: {  	s3 =	sand.u32 $0x4000, s31;
	s1 =	sadd.s32 s1, s30  }
0xc2: {  	s0 =	sor.u32 s3, s0;
	s1 =	sshll.u32 s1, $0x11  }
0xc3: {  	s0 =	sor.u32 s1, s0  }
0xc4: {  	s0 =	sadd.s32 $0x8F2B, s0  }
0xc5: {  	[sflag:s0] =	ssyncadd.remote.s32 $0x1  }
0xc6: {  	_ =	sfence.sel $0xFFFF  }
0xc7: {  	[dreg:$0x0] =	wrdreg $0xFFFFFFFF;
	(pc) =	sbr.abs _section_cstart, $3  }
0xc8: {  	[dreg:$0x1] =	wrdreg $0xFFFFFFFF  }
0xc9: {  	_ =	task.clear_ibuf [dreg:s9], $0x2FFFF;
	_ =	strace $0x9FFFFFFF  }
0xca: {  	(tm) =	ssettm $0x7FFFFFFF  }
0xcb: {  	_ =	shalt  }
tec
execute0_lowered:
.L_overlay_start_1:
0x0: {  	(tag) =	ssettag $0x1  }
0x1: {  	s1 =	rddreg [dreg:$0x0];
	s2 =	srdreg.scid  }
0x2: {  	s4 =	rddreg [dreg:$0x1];
	s0 =	stileid.u32  }
0x3: {  	s5 =	rddreg [dreg:$0x2];
	s3 =	simm.s32 $0x0;
	s18 =	simm.s32 $0x880  }
0x4: {  	s19 =	simm.s32 $0x1080;
	s20 =	simm.s32 $0x1880;
	s21 =	simm.s32 $0x2080  }
0x5: {  	s23 =	simm.s32 $0x2880;
	s24 =	simm.s32 $0x3080;
	s25 =	simm.s32 $0x3880  }
0x6: {  	s26 =	simm.s32 $0x4080;
	s9 =	simm.s32 $0x5080;
	[smem:$0x7FF] =	sst s3  }
0x7: {  	s10 =	simm.s32 $0x5880;
	_ =	strace $0x80000047;
	[dreg:$0x6] =	wrdreg s18  }
0x8: {  	s11 =	simm.s32 $0x6080;
	s12 =	simm.s32 $0x6880;
	[dreg:$0x7] =	wrdreg s19  }
0x9: {  	s13 =	simm.s32 $0x7080;
	s14 =	simm.s32 $0x7880;
	[dreg:$0x8] =	wrdreg s20  }
0xa: {  	s15 =	simm.s32 $0x8080;
	s16 =	simm.s32 $0x8880;
	[dreg:$0x9] =	wrdreg s21  }
0xb: {  	s28 =	simm.s32 $0xE080;
	s29 =	simm.s32 $0xE880;
	[dreg:$0xa] =	wrdreg s23  }
0xc: {  	s30 =	simm.s32 $0xF080;
	s31 =	simm.s32 $0xF880;
	[dreg:$0xb] =	wrdreg s24  }
0xd: {  	s2 =	sand.u32 $0x1, s2;
	s6 =	sshll.u32 s0, $0x8;
	[dreg:$0xc] =	wrdreg s25  }
0xe: {  	s7 =	sshll.u32 s2, $0x7;
	s2 =	ssub.s32 $0x2, s2;
	[dreg:$0xd] =	wrdreg s26  }
0xf: {  	s18 =	simm.s32 $0x9880;
	s19 =	simm.s32 $0xA080;
	s20 =	simm.s32 $0xA880  }
0x10: {  	s21 =	simm.s32 $0xB080;
	s23 =	simm.s32 $0xC080;
	s24 =	simm.s32 $0xC880  }
0x11: {  	s25 =	simm.s32 $0xD080;
	s26 =	simm.s32 $0xD880;
	s6 =	sor.u32 s7, s6  }
0x12: {  	s22 =	sshrl.u32 s2, $0x1;
	s7 =	sshrl.u32 s6, $0x3;
	s6 =	sshll.u32 s6, $0x6  }
0x13: {  	s2 =	ssub.s32 s2, s22;
	s22 =	simm.s32 $0xB880;
	s4 =	sadd.s32 s4, s7  }
0x14: {  	v2 =	vlaneseq.u32;
	s17 =	sadd.s32 s5, s6;
	s5 =	smax.u32 s2, $0x1;
	s6 =	simm.s32 $0x2  }
0x15: {  	vm0 =	vmmov $0xffff;
	v1 =	vshrl.u32 v2, $0x3;
	s7 =	simm.s32 $0x80;
	s2 =	simm.s32 $0x1;
	[dreg:$0x4] =	wrdreg s4  }
0x16: {  	v0 =	vand.u32 $0x7, v2;
	v2 =	vor.u32 $0x8, v2;
	v1 =	vmul.u32 $0x8, v1;
	[dreg:$0x5] =	wrdreg s17;
	s4 =	sadd.s32 $0x100, s1;
	s17 =	simm.s32 $0x9080  }
.LBB2_1:
0x17: {  	s0 =	rddreg [dreg:$0x4]  }
0x18: {  	[tilespmem:s3], [sflag:$0x2] =	stream.linear.gather [hbm4b:s0+s3], $0x80, $0x38;
	[tilespmem:$0x10080] =	vst v63  }
0x19: {  	_ =	swait.ge [sflag:s6], $0x80  }
0x1a: {  	[sflag:s6] =	ssyncset.done $0x0  }
0x1b: {  	[sflag:s6] =	ssyncadd.s32 $0xFFFFFF80  }
0x1c: {  	v3 =	vld [tilespmem:$0x0];
	_ =	sdelay $0x4  }
0x1d: {  	v4 =	vshll.u32 v3, $0x2  }
0x1e: {  	v3 =	vand.u32 $0x7, v3;
	v4 =	vand.u32 $0xFFFFFFE0, v4  }
0x1f: {  	v3 =	vor.u32 v3, v4  }
0x20: {  	v4 =	vperm.xlane v3, v0;
	_ =	sdelay $0x1  }
0x21: {  	v4 =	vadd.s32 v1, v4;
	_ =	sdelay $0x1  }
0x22: {  	v3 =	vperm.xlane v3, v2;
	_ =	sdelay $0x1  }
0x23: {  	v3 =	vadd.s32 v1, v3  }
0x24: {  	[tilespmem:s7], [sflag:$0x1] =	stream.indirect_vreg.gather [hbm4b:s1+s3], $0x80, v4, vm0, $0xb8;
	[tilespmem:$0x10080] =	vst v63  }
0x25: {  	s0 =	rddreg [dreg:$0x6]  }
0x26: {  	[tilespmem:s0], [sflag:$0x1] =	stream.indirect_vreg.gather [hbm4b:s4+s3], $0x80, v4, vm0, $0xb8;
	[tilespmem:$0x10080] =	vst v63  }
0x27: {  	s8 =	rddreg [dreg:$0x7]  }
0x28: {  	[tilespmem:s8], [sflag:$0x1] =	stream.indirect_vreg.gather [hbm4b:s1+s3], $0x80, v3, vm0, $0xb8;
	[tilespmem:$0x10080] =	vst v63  }
0x29: {  	s0 =	rddreg [dreg:$0x8]  }
0x2a: {  	[tilespmem:s0], [sflag:$0x1] =	stream.indirect_vreg.gather [hbm4b:s4+s3], $0x80, v3, vm0, $0xb8;
	[tilespmem:$0x10080] =	vst v63  }
0x2b: {  	v3 =	vld [tilespmem:$0x10];
	_ =	sdelay $0x4  }
0x2c: {  	v57 =	vshll.u32 v3, $0x2  }
0x2d: {  	v3 =	vand.u32 $0x7, v3;
	v4 =	vand.u32 $0xFFFFFFE0, v57  }
0x2e: {  	v3 =	vor.u32 v3, v4  }
0x2f: {  	v4 =	vperm.xlane v3, v0;
	_ =	sdelay $0x1  }
0x30: {  	v4 =	vadd.s32 v1, v4;
	_ =	sdelay $0x1  }
0x31: {  	v3 =	vperm.xlane v3, v2;
	_ =	sdelay $0x1  }
0x32: {  	s0 =	rddreg [dreg:$0x9];
	v3 =	vadd.s32 v1, v3  }
0x33: {  	[tilespmem:s0], [sflag:$0x1] =	stream.indirect_vreg.gather [hbm4b:s1+s3], $0x80, v4, vm0, $0xb8;
	[tilespmem:$0x10080] =	vst v63  }
0x34: {  	s8 =	rddreg [dreg:$0xa]  }
0x35: {  	[tilespmem:s8], [sflag:$0x1] =	stream.indirect_vreg.gather [hbm4b:s4+s3], $0x80, v4, vm0, $0xb8;
	[tilespmem:$0x10080] =	vst v63  }
0x36: {  	s0 =	rddreg [dreg:$0xb]  }
0x37: {  	[tilespmem:s0], [sflag:$0x1] =	stream.indirect_vreg.gather [hbm4b:s1+s3], $0x80, v3, vm0, $0xb8;
	[tilespmem:$0x10080] =	vst v63  }
0x38: {  	s8 =	rddreg [dreg:$0xc]  }
0x39: {  	[tilespmem:s8], [sflag:$0x1] =	stream.indirect_vreg.gather [hbm4b:s4+s3], $0x80, v3, vm0, $0xb8;
	[tilespmem:$0x10080] =	vst v63  }
0x3a: {  	v3 =	vld [tilespmem:$0x20];
	_ =	sdelay $0x4  }
0x3b: {  	v58 =	vshll.u32 v3, $0x2  }
0x3c: {  	v3 =	vand.u32 $0x7, v3;
	v4 =	vand.u32 $0xFFFFFFE0, v58  }
0x3d: {  	v3 =	vor.u32 v3, v4  }
0x3e: {  	v4 =	vperm.xlane v3, v0;
	_ =	sdelay $0x1  }
0x3f: {  	v4 =	vadd.s32 v1, v4;
	_ =	sdelay $0x1  }
0x40: {  	v3 =	vperm.xlane v3, v2;
	_ =	sdelay $0x1  }
0x41: {  	s8 =	rddreg [dreg:$0xd];
	v3 =	vadd.s32 v1, v3  }
0x42: {  	[tilespmem:s8], [sflag:$0x1] =	stream.indirect_vreg.gather [hbm4b:s1+s3], $0x80, v4, vm0, $0xb8;
	[tilespmem:$0x10080] =	vst v63  }
0x43: {  	s8 =	simm.s32 $0x4880  }
0x44: {  	[tilespmem:s8], [sflag:$0x1] =	stream.indirect_vreg.gather [hbm4b:s4+s3], $0x80, v4, vm0, $0xb8;
	[tilespmem:$0x10080] =	vst v63  }
0x45: {  	_ = 	snop  }
0x46: {  	[tilespmem:s9], [sflag:$0x1] =	stream.indirect_vreg.gather [hbm4b:s1+s3], $0x80, v3, vm0, $0xb8;
	[tilespmem:$0x10080] =	vst v63  }
0x47: {  	_ = 	snop  }
0x48: {  	[tilespmem:s10], [sflag:$0x1] =	stream.indirect_vreg.gather [hbm4b:s4+s3], $0x80, v3, vm0, $0xb8;
	[tilespmem:$0x10080] =	vst v63  }
0x49: {  	v3 =	vld [tilespmem:$0x30];
	_ =	sdelay $0x4  }
0x4a: {  	v59 =	vshll.u32 v3, $0x2  }
0x4b: {  	v3 =	vand.u32 $0x7, v3;
	v4 =	vand.u32 $0xFFFFFFE0, v59  }
0x4c: {  	v3 =	vor.u32 v3, v4  }
0x4d: {  	v4 =	vperm.xlane v3, v0;
	_ =	sdelay $0x1  }
0x4e: {  	v4 =	vadd.s32 v1, v4;
	_ =	sdelay $0x1  }
0x4f: {  	v3 =	vperm.xlane v3, v2;
	_ =	sdelay $0x1  }
0x50: {  	v3 =	vadd.s32 v1, v3  }
0x51: {  	[tilespmem:s11], [sflag:$0x1] =	stream.indirect_vreg.gather [hbm4b:s1+s3], $0x80, v4, vm0, $0xb8;
	[tilespmem:$0x10080] =	vst v63  }
0x52: {  	_ = 	snop  }
0x53: {  	[tilespmem:s12], [sflag:$0x1] =	stream.indirect_vreg.gather [hbm4b:s4+s3], $0x80, v4, vm0, $0xb8;
	[tilespmem:$0x10080] =	vst v63  }
0x54: {  	_ = 	snop  }
0x55: {  	[tilespmem:s13], [sflag:$0x1] =	stream.indirect_vreg.gather [hbm4b:s1+s3], $0x80, v3, vm0, $0xb8;
	[tilespmem:$0x10080] =	vst v63  }
0x56: {  	_ = 	snop  }
0x57: {  	[tilespmem:s14], [sflag:$0x1] =	stream.indirect_vreg.gather [hbm4b:s4+s3], $0x80, v3, vm0, $0xb8;
	[tilespmem:$0x10080] =	vst v63  }
0x58: {  	v3 =	vld [tilespmem:$0x40];
	_ =	sdelay $0x4  }
0x59: {  	v60 =	vshll.u32 v3, $0x2  }
0x5a: {  	v3 =	vand.u32 $0x7, v3;
	v4 =	vand.u32 $0xFFFFFFE0, v60  }
0x5b: {  	v3 =	vor.u32 v3, v4  }
0x5c: {  	v4 =	vperm.xlane v3, v0;
	_ =	sdelay $0x1  }
0x5d: {  	v4 =	vadd.s32 v1, v4;
	_ =	sdelay $0x1  }
0x5e: {  	v3 =	vperm.xlane v3, v2;
	_ =	sdelay $0x1  }
0x5f: {  	v3 =	vadd.s32 v1, v3  }
0x60: {  	[tilespmem:s15], [sflag:$0x1] =	stream.indirect_vreg.gather [hbm4b:s1+s3], $0x80, v4, vm0, $0xb8;
	[tilespmem:$0x10080] =	vst v63  }
0x61: {  	_ = 	snop  }
0x62: {  	[tilespmem:s16], [sflag:$0x1] =	stream.indirect_vreg.gather [hbm4b:s4+s3], $0x80, v4, vm0, $0xb8;
	[tilespmem:$0x10080] =	vst v63  }
0x63: {  	_ = 	snop  }
0x64: {  	[tilespmem:s17], [sflag:$0x1] =	stream.indirect_vreg.gather [hbm4b:s1+s3], $0x80, v3, vm0, $0xb8;
	[tilespmem:$0x10080] =	vst v63  }
0x65: {  	_ = 	snop  }
0x66: {  	[tilespmem:s18], [sflag:$0x1] =	stream.indirect_vreg.gather [hbm4b:s4+s3], $0x80, v3, vm0, $0xb8;
	[tilespmem:$0x10080] =	vst v63  }
0x67: {  	v3 =	vld [tilespmem:$0x50];
	_ =	sdelay $0x4  }
0x68: {  	v61 =	vshll.u32 v3, $0x2  }
0x69: {  	v3 =	vand.u32 $0x7, v3;
	v4 =	vand.u32 $0xFFFFFFE0, v61  }
0x6a: {  	v3 =	vor.u32 v3, v4  }
0x6b: {  	v4 =	vperm.xlane v3, v0;
	_ =	sdelay $0x1  }
0x6c: {  	v4 =	vadd.s32 v1, v4;
	_ =	sdelay $0x1  }
0x6d: {  	v3 =	vperm.xlane v3, v2;
	_ =	sdelay $0x1  }
0x6e: {  	v3 =	vadd.s32 v1, v3  }
0x6f: {  	[tilespmem:s19], [sflag:$0x1] =	stream.indirect_vreg.gather [hbm4b:s1+s3], $0x80, v4, vm0, $0xb8;
	[tilespmem:$0x10080] =	vst v63  }
0x70: {  	_ = 	snop  }
0x71: {  	[tilespmem:s20], [sflag:$0x1] =	stream.indirect_vreg.gather [hbm4b:s4+s3], $0x80, v4, vm0, $0xb8;
	[tilespmem:$0x10080] =	vst v63  }
0x72: {  	_ = 	snop  }
0x73: {  	[tilespmem:s21], [sflag:$0x1] =	stream.indirect_vreg.gather [hbm4b:s1+s3], $0x80, v3, vm0, $0xb8;
	[tilespmem:$0x10080] =	vst v63  }
0x74: {  	_ = 	snop  }
0x75: {  	[tilespmem:s22], [sflag:$0x1] =	stream.indirect_vreg.gather [hbm4b:s4+s3], $0x80, v3, vm0, $0xb8;
	[tilespmem:$0x10080] =	vst v63  }
0x76: {  	v3 =	vld [tilespmem:$0x60];
	_ =	sdelay $0x4  }
0x77: {  	v62 =	vshll.u32 v3, $0x2  }
0x78: {  	v3 =	vand.u32 $0x7, v3;
	v4 =	vand.u32 $0xFFFFFFE0, v62  }
0x79: {  	v3 =	vor.u32 v3, v4  }
0x7a: {  	v4 =	vperm.xlane v3, v0;
	_ =	sdelay $0x1  }
0x7b: {  	v4 =	vadd.s32 v1, v4;
	_ =	sdelay $0x1  }
0x7c: {  	v3 =	vperm.xlane v3, v2;
	_ =	sdelay $0x1  }
0x7d: {  	v3 =	vadd.s32 v1, v3  }
0x7e: {  	[tilespmem:s23], [sflag:$0x1] =	stream.indirect_vreg.gather [hbm4b:s1+s3], $0x80, v4, vm0, $0xb8;
	[tilespmem:$0x10080] =	vst v63  }
0x7f: {  	_ = 	snop  }
0x80: {  	[tilespmem:s24], [sflag:$0x1] =	stream.indirect_vreg.gather [hbm4b:s4+s3], $0x80, v4, vm0, $0xb8;
	[tilespmem:$0x10080] =	vst v63  }
0x81: {  	_ = 	snop  }
0x82: {  	[tilespmem:s25], [sflag:$0x1] =	stream.indirect_vreg.gather [hbm4b:s1+s3], $0x80, v3, vm0, $0xb8;
	[tilespmem:$0x10080] =	vst v63  }
0x83: {  	_ = 	snop  }
0x84: {  	[tilespmem:s26], [sflag:$0x1] =	stream.indirect_vreg.gather [hbm4b:s4+s3], $0x80, v3, vm0, $0xb8;
	[tilespmem:$0x10080] =	vst v63  }
0x85: {  	v3 =	vld [tilespmem:$0x70];
	_ =	sdelay $0x4  }
0x86: {  	v63 =	vshll.u32 v3, $0x2  }
0x87: {  	v3 =	vand.u32 $0x7, v3;
	v4 =	vand.u32 $0xFFFFFFE0, v63  }
0x88: {  	v3 =	vor.u32 v3, v4  }
0x89: {  	v4 =	vperm.xlane v3, v0;
	_ =	sdelay $0x1  }
0x8a: {  	v4 =	vadd.s32 v1, v4;
	_ =	sdelay $0x1  }
0x8b: {  	v3 =	vperm.xlane v3, v2;
	_ =	sdelay $0x1  }
0x8c: {  	v3 =	vadd.s32 v1, v3  }
0x8d: {  	[tilespmem:s28], [sflag:$0x1] =	stream.indirect_vreg.gather [hbm4b:s1+s3], $0x80, v4, vm0, $0xb8;
	[tilespmem:$0x10080] =	vst v63  }
0x8e: {  	_ = 	snop  }
0x8f: {  	[tilespmem:s29], [sflag:$0x1] =	stream.indirect_vreg.gather [hbm4b:s4+s3], $0x80, v4, vm0, $0xb8;
	[tilespmem:$0x10080] =	vst v63  }
0x90: {  	_ = 	snop  }
0x91: {  	[tilespmem:s30], [sflag:$0x1] =	stream.indirect_vreg.gather [hbm4b:s1+s3], $0x80, v3, vm0, $0xb8;
	[tilespmem:$0x10080] =	vst v63  }
0x92: {  	_ = 	snop  }
0x93: {  	[tilespmem:s31], [sflag:$0x1] =	stream.indirect_vreg.gather [hbm4b:s4+s3], $0x80, v3, vm0, $0xb8;
	[tilespmem:$0x10080] =	vst v63  }
0x94: {  	_ =	swait.ge [sflag:s2], $0x10000  }
0x95: {  	p0 =	sne.s32 s5, $0x1;
	[sflag:s2] =	ssyncset.done $0x0  }
.Ltmp0:
0x96: {  	s8 =	rddreg [dreg:$0x5];
	[sflag:s2] =	ssyncadd.s32 $0xFFFF0000;
	(pc) =	sbr.rel @p0 .LBB2_1-.Ltmp0, $4  }
0x97: {  	[hbm4b:s8+s3] =	stream.linear.scatter [tilespmem:s7], [sflag:$0x2], $0x10000, $0x38;
	[tilespmem:$0x10080] =	vst v63  }
0x98: {  	_ =	swait.ge [sflag:s6], $0x10000  }
0x99: {  	[sflag:s6] =	ssyncset.done $0x0  }
0x9a: {  	s5 =	sadd.s32 $0xFFFFFFFF, s5;
	[sflag:s6] =	ssyncadd.s32 $0xFFFF0000  }
0x9b: {  	_ =	sfence.sel $0x180000  }
0x9c: {  	[bflag:$0x0] =	sbarrier.arrive $0xFFFF  }
0x9d: {  	_ =	strace $0x90000047  }
0x9e: {  	s0 =	stileid.u32;
	[bflag:$0x2] =	sbarrier.arrive $0xFFFF  }
0x9f: {  	p0 =	sne.s32 s0, $0x0;
	s0 =	rddreg [dreg:$0x3]  }
0xa0: {  	s0 =	sadd.s32 @!p0 $0x100000, s0  }
0xa1: {  	[sflag:s0] =	ssyncadd.tile.s32 @!p0 $0x1;
	_ =	shalt  }
.Lfunc_end2:
_tile_overlayer_lowered:
.L_overlay_start_2:
0xa2: {  	(tag) =	ssettag $0x2  }
0xa3: {  	s0 =	rddreg [dreg:$0x0];
	s2 =	stileid.u32  }
0xa4: {  	s1 =	rddreg [dreg:$0x1];
	p0 =	sne.s32 s2, $0x0  }
0xa5: {  	s3 =	rddreg [dreg:$0x2];
	[bflag:$0x3] =	sbarrier.arrive $0xFFFF;
	s2 =	simm.s32 @!p0 $0x1C02  }
0xa6: {  	[timem:s3], [sflag:s2] =	dma.local @!p0 [hbm:s0], s1  }
0xa7: {  	s0 =	simm.s32 @!p0 $0x2  }
0xa8: {  	_ =	swait.ge @!p0 [sflag:s0], s1  }
0xa9: {  	s1 =	ssub.s32 @!p0 $0x0, s1;
	[sflag:s0] =	ssyncset.done @!p0 $0x0  }
0xaa: {  	[sflag:s0] =	ssyncadd.s32 @!p0 s1  }
0xab: {  	[bflag:$0x3] =	sbarrier.arrive $0xFFFF  }
0xac: {  	_ =	shalt  }

</sc_bundles>
